<compile_context>
chip_gen: v7x
topology: tpu7x:2x2x1
jax: 0.10.2.dev20260603
libtpu: 0.0.44.dev20260713+nightly
codegen_flags: <defaults>
</compile_context>

<pallas_src>
import functools

import jax
import jax.numpy as jnp
from jax.experimental import pallas as pl

NC = 81
BIGF = 3.0e38
BIGI = 2 ** 30
HIGHEST = jax.lax.Precision.HIGHEST


def _pass_a(bn, ca_ref, box_ref, m_ref, am_ref, pom_ref, poa_ref):
    kb = pl.program_id(1)
    ca = ca_ref[...]
    ax1 = ca[0:1, :] - ca[2:3, :] / 2.0
    ay1 = ca[1:2, :] - ca[3:4, :] / 2.0
    ax2 = ca[0:1, :] + ca[2:3, :] / 2.0
    ay2 = ca[1:2, :] + ca[3:4, :] / 2.0
    b = box_ref[0]
    bx1, by1, bx2, by2 = b[:, 0:1], b[:, 1:2], b[:, 2:3], b[:, 3:4]
    iw = jnp.clip(jnp.minimum(ax2, bx2) - jnp.maximum(ax1, bx1), 0.0)
    ih = jnp.clip(jnp.minimum(ay2, by2) - jnp.maximum(ay1, by1), 0.0)
    inter = iw * ih
    aarea = (ax2 - ax1) * (ay2 - ay1)
    barea = (bx2 - bx1) * (by2 - by1)
    iou = inter / (aarea + barea - inter)

    m = jnp.max(iou, axis=0, keepdims=True)
    iids = jax.lax.broadcasted_iota(jnp.int32, iou.shape, 0)
    am = jnp.min(jnp.where(iou == m, iids, BIGI), axis=0, keepdims=True)
    m_ref[...] = m.reshape(1, 1, bn)
    am_ref[...] = am.reshape(1, 1, bn)

    pm = jnp.max(iou, axis=1, keepdims=True)
    gids = jax.lax.broadcasted_iota(jnp.int32, iou.shape, 1) + kb * bn
    pa = jnp.min(jnp.where(iou == pm, gids, BIGI), axis=1, keepdims=True)
    pom_ref[...] = pm.reshape(1, 1, -1, 1)
    poa_ref[...] = pa.reshape(1, 1, -1, 1)


def _pass_b(bn, nblocks, ca_ref, bt_ref, lab_ref, m_ref, am_ref, pom_ref,
            poa_ref, cls_ref, loc_ref, aid_ref):
    kb = pl.program_id(1)
    n_obj = bt_ref.shape[-1]

    best = pom_ref[0, 0]
    for k2 in range(1, nblocks):
        best = jnp.maximum(best, pom_ref[0, k2])
    gidx = jnp.full_like(poa_ref[0, 0], BIGI)
    for k2 in range(nblocks):
        gidx = jnp.minimum(
            gidx, jnp.where(pom_ref[0, k2] == best, poa_ref[0, k2], BIGI))
    any_pos = jnp.max(best) >= 0.5

    m = m_ref[0]
    am = am_ref[0]
    sel = (jax.lax.broadcasted_iota(jnp.int32, (n_obj, bn), 0)
           == am).astype(jnp.float32)

    bt = bt_ref[0]
    lab5 = jnp.concatenate([bt, lab_ref[0]], axis=0)
    bl = jax.lax.dot_general(lab5, sel, (((1,), (0,)), ((), ())),
                             precision=HIGHEST)

    gi = jax.lax.broadcasted_iota(jnp.int32, (n_obj, bn), 1) + kb * bn
    fb = jnp.any(gi == gidx, axis=0, keepdims=True)
    pos = (any_pos & (m >= 0.5)) | (jnp.logical_not(any_pos) & fb)
    neg = m < 0.4
    posf = pos.astype(jnp.float32)
    ignf = (1.0 - posf) * (1.0 - neg.astype(jnp.float32))
    aid_ref[...] = (posf - ignf).reshape(1, 1, bn)

    onehot = (jax.lax.broadcasted_iota(jnp.int32, (n_obj, 128), 1)
              == lab_ref[0].astype(jnp.int32).reshape(n_obj, 1) + 1
              ).astype(jnp.float32)
    ign_row = jnp.where(
        jax.lax.broadcasted_iota(jnp.int32, (1, 128), 1) < NC, -1.0, 0.0)
    mmat = jnp.concatenate([onehot, ign_row], axis=0)
    smat = jnp.concatenate([sel * posf, ignf], axis=0)
    cls = jax.lax.dot_general(smat, mmat, (((0,), (0,)), ((), ())),
                              precision=jax.lax.Precision.DEFAULT)
    cls_ref[...] = cls.reshape(1, bn, 128)

    ca = ca_ref[...]
    x1, y1, x2, y2 = bl[0:1, :], bl[1:2, :], bl[2:3, :], bl[3:4, :]
    cx = (x1 + x2) / 2.0
    cy = (y1 + y2) / 2.0
    w = x2 - x1
    h = y2 - y1
    gcx = (cx - ca[0:1, :]) / (ca[2:3, :] / 10.0)
    gcy = (cy - ca[1:2, :]) / (ca[3:4, :] / 10.0)
    gw = jnp.log(w / ca[2:3, :]) * 5.0
    gh = jnp.log(h / ca[3:4, :]) * 5.0
    loc_t = jnp.concatenate([gcx, gcy, gw, gh], axis=0)
    loc_ref[...] = loc_t.reshape(1, 4, bn)


@jax.jit
def kernel(gt_boxes, gt_labels, center_anchor):
    B, n_obj = gt_labels.shape
    np_real = center_anchor.shape[0]
    BN = 6784
    nblocks = -(-np_real // BN)
    np_pad = nblocks * BN

    pad = jnp.broadcast_to(jnp.array([2.0, 2.0, 0.01, 0.01], jnp.float32),
                           (np_pad - np_real, 4))
    ca_t = jnp.transpose(jnp.concatenate([center_anchor, pad], axis=0))
    boxes_t = jnp.transpose(gt_boxes, (0, 2, 1))
    lab_f = gt_labels.astype(jnp.float32).reshape(B, 1, n_obj)

    grid = (B, nblocks)
    ca_spec = pl.BlockSpec((4, BN), lambda b, k: (0, k))
    box_spec = pl.BlockSpec((1, n_obj, 4), lambda b, k: (b, 0, 0))
    bt_spec = pl.BlockSpec((1, 4, n_obj), lambda b, k: (b, 0, 0))
    row_spec = pl.BlockSpec((1, 1, BN), lambda b, k: (b, 0, k))
    po_spec_a = pl.BlockSpec((1, 1, n_obj, 1), lambda b, k: (b, k, 0, 0))
    po_spec_b = pl.BlockSpec((1, nblocks, n_obj, 1), lambda b, k: (b, 0, 0, 0))

    m, am, pom, poa = pl.pallas_call(
        functools.partial(_pass_a, BN),
        grid=grid,
        in_specs=[ca_spec, box_spec],
        out_specs=[row_spec, row_spec, po_spec_a, po_spec_a],
        out_shape=[
            jax.ShapeDtypeStruct((B, 1, np_pad), jnp.float32),
            jax.ShapeDtypeStruct((B, 1, np_pad), jnp.int32),
            jax.ShapeDtypeStruct((B, nblocks, n_obj, 1), jnp.float32),
            jax.ShapeDtypeStruct((B, nblocks, n_obj, 1), jnp.int32),
        ],
    )(ca_t, gt_boxes)

    cls, loc, aid = pl.pallas_call(
        functools.partial(_pass_b, BN, nblocks),
        grid=grid,
        in_specs=[ca_spec, bt_spec,
                  pl.BlockSpec((1, 1, n_obj), lambda b, k: (b, 0, 0)),
                  row_spec, row_spec, po_spec_b, po_spec_b],
        out_specs=[
            pl.BlockSpec((1, BN, 128), lambda b, k: (b, k, 0)),
            pl.BlockSpec((1, 4, BN), lambda b, k: (b, 0, k)),
            pl.BlockSpec((1, 1, BN), lambda b, k: (b, 0, k)),
        ],
        out_shape=[
            jax.ShapeDtypeStruct((B, np_real, 128), jnp.float32),
            jax.ShapeDtypeStruct((B, 4, np_real), jnp.float32),
            jax.ShapeDtypeStruct((B, 1, np_real), jnp.float32),
        ],
    )(ca_t, boxes_t, lab_f, m, am, pom, poa)

    return (cls[:, :, :NC], jnp.transpose(loc, (0, 2, 1)),
            aid.reshape(B, np_real))

# --- scband reference (transcript-rebuilt; emitter-appended) ---
"""Pipeline reference for scband-target-maker-22926535426664 (READ-ONLY COPY).

The authoritative reference and input builder live on the scoring server;
editing this copy changes nothing except your own understanding.
"""

import jax, jax.numpy as jnp
import numpy as np

NUM_CLASSES = 81


def cxcy_to_xy(cxcy):
    return jnp.concatenate([cxcy[..., :2] - cxcy[..., 2:] / 2.0,
                            cxcy[..., :2] + cxcy[..., 2:] / 2.0], axis=-1)


def xy_to_cxcy(xy):
    return jnp.concatenate([(xy[..., :2] + xy[..., 2:]) / 2.0,
                            xy[..., 2:] - xy[..., :2]], axis=-1)


def encode(cxcy, priors_cxcy):
    return jnp.concatenate([(cxcy[..., :2] - priors_cxcy[..., :2]) / (priors_cxcy[..., 2:] / 10.0),
                            jnp.log(cxcy[..., 2:] / priors_cxcy[..., 2:]) * 5.0], axis=-1)


def find_jaccard_overlap(set1, set2):
    lower = jnp.maximum(set1[:, None, :2], set2[None, :, :2])
    upper = jnp.minimum(set1[:, None, 2:], set2[None, :, 2:])
    wh = jnp.clip(upper - lower, 0.0)
    inter = wh[..., 0] * wh[..., 1]
    area1 = (set1[:, 2] - set1[:, 0]) * (set1[:, 3] - set1[:, 1])
    area2 = (set2[:, 2] - set2[:, 0]) * (set2[:, 3] - set2[:, 1])
    union = area1[:, None] + area2[None, :] - inter
    return inter / union


def setup_inputs(seed: int = 0):
    key = jax.random.key(seed)
    k1, k2, k3, k4, k5 = jax.random.split(key, 5)
    B, n_obj, n_priors = 16, 128, 20000
    xy1 = jax.random.uniform(k1, (B, n_obj, 2), dtype=jnp.float32) * 0.6
    wh = jax.random.uniform(k2, (B, n_obj, 2), dtype=jnp.float32) * 0.35 + 0.02
    gt_boxes = jnp.concatenate([xy1, xy1 + wh], axis=-1)
    gt_labels = jax.random.randint(k3, (B, n_obj), 0, 80)
    cxcy = jax.random.uniform(k4, (n_priors, 2), dtype=jnp.float32)
    awh = jax.random.uniform(k5, (n_priors, 2), dtype=jnp.float32) * 0.3 + 0.02
    center_anchor = jnp.concatenate([cxcy, awh], axis=-1)
    return {"gt_boxes": gt_boxes, "gt_labels": gt_labels, "center_anchor": center_anchor}


def _assign_single(boxes, labels, center_anchor, corner_anchor):
    n_priors = center_anchor.shape[0]
    iou = find_jaccard_overlap(corner_anchor, boxes)
    IoU_max = jnp.max(iou, axis=1)
    IoU_argmax = jnp.argmax(iou, axis=1)
    gt_classes = -jnp.ones((n_priors, NUM_CLASSES), dtype=jnp.float32)
    anchor_identifier = -jnp.ones((n_priors,), dtype=jnp.float32)
    negative = IoU_max < 0.4
    gt_classes = jnp.where(negative[:, None], 0.0, gt_classes)
    anchor_identifier = jnp.where(negative, 0.0, anchor_identifier)
    # IT = 0.5 branch (default)
    positive = IoU_max >= 0.5
    IoU_argmax_per_object = jnp.argmax(iou, axis=0)
    fallback = jnp.zeros((n_priors,), dtype=bool).at[IoU_argmax_per_object].set(True)
    positive = jnp.where(jnp.any(positive), positive, fallback)
    argmax_labels = labels[IoU_argmax] + 1
    onehot = jax.nn.one_hot(argmax_labels, NUM_CLASSES, dtype=jnp.float32)
    gt_classes = jnp.where(positive[:, None], onehot, gt_classes)
    anchor_identifier = jnp.where(positive, 1.0, anchor_identifier)
    argmax_locations = boxes[IoU_argmax]
    center_locations = xy_to_cxcy(argmax_locations)
    gt_gcxcywh = encode(center_locations, center_anchor)
    return gt_classes, gt_gcxcywh, anchor_identifier


def reference(gt_boxes, gt_labels, center_anchor):
    corner_anchor = cxcy_to_xy(center_anchor)
    f = jax.vmap(lambda b, l: _assign_single(b, l, center_anchor, corner_anchor))
    gt_classes, gt_locations, anchor_identifier = f(gt_boxes, gt_labels)
    return gt_classes, gt_locations, anchor_identifier

if __name__ == "__main__":
    import jax
    _d = setup_inputs()
    print(jax.jit(kernel)(*tuple(_d.values())))

</pallas_src>

<mosaic_0001>
module attributes {stable_mosaic.version = 14 : i64} {
  func.func @_pass_a(%arg0: i32, %arg1: i32, %arg2: memref<4x6784xf32, #tpu.memory_space<vmem>>, %arg3: memref<1x128x4xf32, #tpu.memory_space<vmem>>, %arg4: memref<1x1x6784xf32, #tpu.memory_space<vmem>>, %arg5: memref<1x1x6784xi32, #tpu.memory_space<vmem>>, %arg6: memref<1x1x128x1xf32, #tpu.memory_space<vmem>>, %arg7: memref<1x1x128x1xi32, #tpu.memory_space<vmem>>) attributes {dimension_semantics = [#tpu.dimension_semantics<arbitrary>, #tpu.dimension_semantics<arbitrary>], iteration_bounds = array<i64: 16, 3>, scalar_prefetch = 0 : i64, scratch_operands = 0 : i64, tpu.core_type = #tpu.core_type<tc>, window_params = [{transform_indices = @transform_0, window_bounds = array<i64: 4, 6784>}, {transform_indices = @transform_1, window_bounds = array<i64: 1, 128, 4>}, {transform_indices = @transform_2, window_bounds = array<i64: 1, 1, 6784>}, {transform_indices = @transform_3, window_bounds = array<i64: 1, 1, 6784>}, {transform_indices = @transform_4, window_bounds = array<i64: 1, 1, 128, 1>}, {transform_indices = @transform_5, window_bounds = array<i64: 1, 1, 128, 1>}]} {
    %get3A = arith.constant 0 : index
    %get3A_0 = arith.constant 0 : index
    %get3A_1 = vector.load %arg2[%get3A, %get3A_0] : memref<4x6784xf32, #tpu.memory_space<vmem>>, vector<4x6784xf32>
    %slice3A = vector.extract_strided_slice %get3A_1 {offsets = [0, 0], sizes = [1, 6784], strides = [1, 1]} : vector<4x6784xf32> to vector<1x6784xf32>
    %slice3A_2 = vector.extract_strided_slice %get3A_1 {offsets = [2, 0], sizes = [1, 6784], strides = [1, 1]} : vector<4x6784xf32> to vector<1x6784xf32>
    %div3A = arith.constant 2.000000e+00 : f32
    %div3A_3 = vector.broadcast %div3A : f32 to vector<1x6784xf32>
    %div3A_4 = arith.divf %slice3A_2, %div3A_3 : vector<1x6784xf32>
    %sub3A = arith.subf %slice3A, %div3A_4 : vector<1x6784xf32>
    %slice3A_5 = vector.extract_strided_slice %get3A_1 {offsets = [1, 0], sizes = [1, 6784], strides = [1, 1]} : vector<4x6784xf32> to vector<1x6784xf32>
    %slice3A_6 = vector.extract_strided_slice %get3A_1 {offsets = [3, 0], sizes = [1, 6784], strides = [1, 1]} : vector<4x6784xf32> to vector<1x6784xf32>
    %div3A_7 = arith.constant 2.000000e+00 : f32
    %div3A_8 = vector.broadcast %div3A_7 : f32 to vector<1x6784xf32>
    %div3A_9 = arith.divf %slice3A_6, %div3A_8 : vector<1x6784xf32>
    %sub3A_10 = arith.subf %slice3A_5, %div3A_9 : vector<1x6784xf32>
    %slice3A_11 = vector.extract_strided_slice %get3A_1 {offsets = [0, 0], sizes = [1, 6784], strides = [1, 1]} : vector<4x6784xf32> to vector<1x6784xf32>
    %slice3A_12 = vector.extract_strided_slice %get3A_1 {offsets = [2, 0], sizes = [1, 6784], strides = [1, 1]} : vector<4x6784xf32> to vector<1x6784xf32>
    %div3A_13 = arith.constant 2.000000e+00 : f32
    %div3A_14 = vector.broadcast %div3A_13 : f32 to vector<1x6784xf32>
    %div3A_15 = arith.divf %slice3A_12, %div3A_14 : vector<1x6784xf32>
    %add3A = arith.addf %slice3A_11, %div3A_15 : vector<1x6784xf32>
    %slice3A_16 = vector.extract_strided_slice %get3A_1 {offsets = [1, 0], sizes = [1, 6784], strides = [1, 1]} : vector<4x6784xf32> to vector<1x6784xf32>
    %slice3A_17 = vector.extract_strided_slice %get3A_1 {offsets = [3, 0], sizes = [1, 6784], strides = [1, 1]} : vector<4x6784xf32> to vector<1x6784xf32>
    %div3A_18 = arith.constant 2.000000e+00 : f32
    %div3A_19 = vector.broadcast %div3A_18 : f32 to vector<1x6784xf32>
    %div3A_20 = arith.divf %slice3A_17, %div3A_19 : vector<1x6784xf32>
    %add3A_21 = arith.addf %slice3A_16, %div3A_20 : vector<1x6784xf32>
    %get3A_22 = arith.constant 0 : index
    %get3A_23 = arith.constant 0 : index
    %get3A_24 = arith.constant 0 : index
    %get3A_25 = vector.load %arg3[%get3A_22, %get3A_23, %get3A_24] : memref<1x128x4xf32, #tpu.memory_space<vmem>>, vector<1x128x4xf32>
    %get3A_26 = vector.shape_cast %get3A_25 : vector<1x128x4xf32> to vector<128x4xf32>
    %slice3A_27 = vector.extract_strided_slice %get3A_26 {offsets = [0, 0], sizes = [128, 1], strides = [1, 1]} : vector<128x4xf32> to vector<128x1xf32>
    %slice3A_28 = vector.extract_strided_slice %get3A_26 {offsets = [0, 1], sizes = [128, 1], strides = [1, 1]} : vector<128x4xf32> to vector<128x1xf32>
    %slice3A_29 = vector.extract_strided_slice %get3A_26 {offsets = [0, 2], sizes = [128, 1], strides = [1, 1]} : vector<128x4xf32> to vector<128x1xf32>
    %slice3A_30 = vector.extract_strided_slice %get3A_26 {offsets = [0, 3], sizes = [128, 1], strides = [1, 1]} : vector<128x4xf32> to vector<128x1xf32>
    %min3A = vector.broadcast %add3A : vector<1x6784xf32> to vector<128x6784xf32>
    %min3A_31 = vector.broadcast %slice3A_29 : vector<128x1xf32> to vector<128x6784xf32>
    %min3A_32 = arith.minimumf %min3A, %min3A_31 : vector<128x6784xf32>
    %max3A = vector.broadcast %sub3A : vector<1x6784xf32> to vector<128x6784xf32>
    %max3A_33 = vector.broadcast %slice3A_27 : vector<128x1xf32> to vector<128x6784xf32>
    %max3A_34 = arith.maximumf %max3A, %max3A_33 : vector<128x6784xf32>
    %sub3A_35 = arith.subf %min3A_32, %max3A_34 : vector<128x6784xf32>
    %jit3A = arith.constant 0.000000e+00 : f32
    %max3A_36 = vector.broadcast %jit3A : f32 to vector<128x6784xf32>
    %max3A_37 = arith.maximumf %max3A_36, %sub3A_35 : vector<128x6784xf32>
    %min3A_38 = vector.broadcast %add3A_21 : vector<1x6784xf32> to vector<128x6784xf32>
    %min3A_39 = vector.broadcast %slice3A_30 : vector<128x1xf32> to vector<128x6784xf32>
    %min3A_40 = arith.minimumf %min3A_38, %min3A_39 : vector<128x6784xf32>
    %max3A_41 = vector.broadcast %sub3A_10 : vector<1x6784xf32> to vector<128x6784xf32>
    %max3A_42 = vector.broadcast %slice3A_28 : vector<128x1xf32> to vector<128x6784xf32>
    %max3A_43 = arith.maximumf %max3A_41, %max3A_42 : vector<128x6784xf32>
    %sub3A_44 = arith.subf %min3A_40, %max3A_43 : vector<128x6784xf32>
    %jit3A_45 = arith.constant 0.000000e+00 : f32
    %max3A_46 = vector.broadcast %jit3A_45 : f32 to vector<128x6784xf32>
    %max3A_47 = arith.maximumf %max3A_46, %sub3A_44 : vector<128x6784xf32>
    %mul3A = arith.mulf %max3A_37, %max3A_47 : vector<128x6784xf32>
    %sub3A_48 = arith.subf %add3A, %sub3A : vector<1x6784xf32>
    %sub3A_49 = arith.subf %add3A_21, %sub3A_10 : vector<1x6784xf32>
    %mul3A_50 = arith.mulf %sub3A_48, %sub3A_49 : vector<1x6784xf32>
    %sub3A_51 = arith.subf %slice3A_29, %slice3A_27 : vector<128x1xf32>
    %sub3A_52 = arith.subf %slice3A_30, %slice3A_28 : vector<128x1xf32>
    %mul3A_53 = arith.mulf %sub3A_51, %sub3A_52 : vector<128x1xf32>
    %add3A_54 = vector.broadcast %mul3A_50 : vector<1x6784xf32> to vector<128x6784xf32>
    %add3A_55 = vector.broadcast %mul3A_53 : vector<128x1xf32> to vector<128x6784xf32>
    %add3A_56 = arith.addf %add3A_54, %add3A_55 : vector<128x6784xf32>
    %sub3A_57 = arith.subf %add3A_56, %mul3A : vector<128x6784xf32>
    %div3A_58 = arith.divf %mul3A, %sub3A_57 : vector<128x6784xf32>
    %reduce_max3A = arith.constant dense<0xFF800000> : vector<6784xf32>
    %reduce_max3A_59 = vector.multi_reduction <maximumf>, %div3A_58, %reduce_max3A [0] : vector<128x6784xf32> to vector<6784xf32>
    %broadcast_in_dim3A = vector.shape_cast %reduce_max3A_59 : vector<6784xf32> to vector<1x6784xf32>
    %iota3A = tpu.iota {dimensions = array<i32: 0>} : vector<128x6784xi32>
    %eq3A = vector.broadcast %broadcast_in_dim3A : vector<1x6784xf32> to vector<128x6784xf32>
    %eq3A_60 = arith.cmpf oeq, %div3A_58, %eq3A : vector<128x6784xf32>
    %jit3A_61 = arith.constant 1073741824 : i32
    %broadcast_in_dim3A_62 = vector.broadcast %jit3A_61 : i32 to vector<128x6784xi32>
    %select_n3A = arith.select %eq3A_60, %iota3A, %broadcast_in_dim3A_62 : vector<128x6784xi1>, vector<128x6784xi32>
    %reduce_min3A = arith.constant dense<2147483647> : vector<6784xi32>
    %reduce_min3A_63 = vector.multi_reduction <minsi>, %select_n3A, %reduce_min3A [0] : vector<128x6784xi32> to vector<6784xi32>
    %broadcast_in_dim3A_64 = vector.shape_cast %reduce_min3A_63 : vector<6784xi32> to vector<1x6784xi32>
    %reshape3A = vector.shape_cast %broadcast_in_dim3A : vector<1x6784xf32> to vector<1x1x6784xf32>
    %swap3A = arith.constant 0 : index
    %swap3A_65 = arith.constant 0 : index
    %swap3A_66 = arith.constant 0 : index
    %swap3A_67 = vector.load %arg4[%swap3A, %swap3A_65, %swap3A_66] : memref<1x1x6784xf32, #tpu.memory_space<vmem>>, vector<1x1x6784xf32>
    tpu.vector_store %arg4[%swap3A, %swap3A_65, %swap3A_66], %reshape3A {strides = array<i32>} : memref<1x1x6784xf32, #tpu.memory_space<vmem>>, vector<1x1x6784xf32>,
    %reshape3A_68 = vector.shape_cast %broadcast_in_dim3A_64 : vector<1x6784xi32> to vector<1x1x6784xi32>
    %swap3A_69 = arith.constant 0 : index
    %swap3A_70 = arith.constant 0 : index
    %swap3A_71 = arith.constant 0 : index
    %swap3A_72 = vector.load %arg5[%swap3A_69, %swap3A_70, %swap3A_71] : memref<1x1x6784xi32, #tpu.memory_space<vmem>>, vector<1x1x6784xi32>
    tpu.vector_store %arg5[%swap3A_69, %swap3A_70, %swap3A_71], %reshape3A_68 {strides = array<i32>} : memref<1x1x6784xi32, #tpu.memory_space<vmem>>, vector<1x1x6784xi32>,
    %reduce_max3A_73 = arith.constant dense<0xFF800000> : vector<128xf32>
    %reduce_max3A_74 = vector.multi_reduction <maximumf>, %div3A_58, %reduce_max3A_73 [1] : vector<128x6784xf32> to vector<128xf32>
    %broadcast_in_dim3A_75 = vector.shape_cast %reduce_max3A_74 : vector<128xf32> to vector<128x1xf32>
    %iota3A_76 = tpu.iota {dimensions = array<i32: 1>} : vector<128x6784xi32>
    %mul3A_77 = arith.constant 6784 : i32
    %mul3A_78 = arith.muli %arg1, %mul3A_77 : i32
    %add3A_79 = vector.broadcast %mul3A_78 : i32 to vector<128x6784xi32>
    %add3A_80 = arith.addi %iota3A_76, %add3A_79 : vector<128x6784xi32>
    %eq3A_81 = vector.broadcast %broadcast_in_dim3A_75 : vector<128x1xf32> to vector<128x6784xf32>
    %eq3A_82 = arith.cmpf oeq, %div3A_58, %eq3A_81 : vector<128x6784xf32>
    %jit3A_83 = arith.constant 1073741824 : i32
    %broadcast_in_dim3A_84 = vector.broadcast %jit3A_83 : i32 to vector<128x6784xi32>
    %select_n3A_85 = arith.select %eq3A_82, %add3A_80, %broadcast_in_dim3A_84 : vector<128x6784xi1>, vector<128x6784xi32>
    %reduce_min3A_86 = arith.constant dense<2147483647> : vector<128xi32>
    %reduce_min3A_87 = vector.multi_reduction <minsi>, %select_n3A_85, %reduce_min3A_86 [1] : vector<128x6784xi32> to vector<128xi32>
    %broadcast_in_dim3A_88 = vector.shape_cast %reduce_min3A_87 : vector<128xi32> to vector<128x1xi32>
    %reshape3A_89 = vector.shape_cast %broadcast_in_dim3A_75 : vector<128x1xf32> to vector<1x1x128x1xf32>
    %swap3A_90 = arith.constant 0 : index
    %swap3A_91 = arith.constant 0 : index
    %swap3A_92 = arith.constant 0 : index
    %swap3A_93 = arith.constant 0 : index
    %swap3A_94 = vector.load %arg6[%swap3A_90, %swap3A_91, %swap3A_92, %swap3A_93] : memref<1x1x128x1xf32, #tpu.memory_space<vmem>>, vector<1x1x128x1xf32>
    tpu.vector_store %arg6[%swap3A_90, %swap3A_91, %swap3A_92, %swap3A_93], %reshape3A_89 {strides = array<i32>} : memref<1x1x128x1xf32, #tpu.memory_space<vmem>>, vector<1x1x128x1xf32>,
    %reshape3A_95 = vector.shape_cast %broadcast_in_dim3A_88 : vector<128x1xi32> to vector<1x1x128x1xi32>
    %swap3A_96 = arith.constant 0 : index
    %swap3A_97 = arith.constant 0 : index
    %swap3A_98 = arith.constant 0 : index
    %swap3A_99 = arith.constant 0 : index
    %swap3A_100 = vector.load %arg7[%swap3A_96, %swap3A_97, %swap3A_98, %swap3A_99] : memref<1x1x128x1xi32, #tpu.memory_space<vmem>>, vector<1x1x128x1xi32>
    tpu.vector_store %arg7[%swap3A_96, %swap3A_97, %swap3A_98, %swap3A_99], %reshape3A_95 {strides = array<i32>} : memref<1x1x128x1xi32, #tpu.memory_space<vmem>>, vector<1x1x128x1xi32>,
    return
  }
  func.func @transform_0(%arg0: i32, %arg1: i32) -> (i32, i32) {
    %c0_i32 = arith.constant 0 : i32
    %c0_i32_0 = arith.constant 0 : i32
    return %c0_i32, %arg1 : i32, i32
  }
  func.func @transform_1(%arg0: i32, %arg1: i32) -> (i32, i32, i32) {
    %c0_i32 = arith.constant 0 : i32
    %c0_i32_0 = arith.constant 0 : i32
    %c0_i32_1 = arith.constant 0 : i32
    return %arg0, %c0_i32, %c0_i32_0 : i32, i32, i32
  }
  func.func @transform_2(%arg0: i32, %arg1: i32) -> (i32, i32, i32) {
    %c0_i32 = arith.constant 0 : i32
    %c0_i32_0 = arith.constant 0 : i32
    return %arg0, %c0_i32, %arg1 : i32, i32, i32
  }
  func.func @transform_3(%arg0: i32, %arg1: i32) -> (i32, i32, i32) {
    %c0_i32 = arith.constant 0 : i32
    %c0_i32_0 = arith.constant 0 : i32
    return %arg0, %c0_i32, %arg1 : i32, i32, i32
  }
  func.func @transform_4(%arg0: i32, %arg1: i32) -> (i32, i32, i32, i32) {
    %c0_i32 = arith.constant 0 : i32
    %c0_i32_0 = arith.constant 0 : i32
    %c0_i32_1 = arith.constant 0 : i32
    return %arg0, %arg1, %c0_i32, %c0_i32_0 : i32, i32, i32, i32
  }
  func.func @transform_5(%arg0: i32, %arg1: i32) -> (i32, i32, i32, i32) {
    %c0_i32 = arith.constant 0 : i32
    %c0_i32_0 = arith.constant 0 : i32
    %c0_i32_1 = arith.constant 0 : i32
    return %arg0, %arg1, %c0_i32, %c0_i32_0 : i32, i32, i32, i32
  }
}

module attributes {stable_mosaic.version = 14 : i64} {
  func.func @_pass_b(%arg0: i32, %arg1: i32, %arg2: memref<4x6784xf32, #tpu.memory_space<vmem>>, %arg3: memref<1x4x128xf32, #tpu.memory_space<vmem>>, %arg4: memref<1x1x128xf32, #tpu.memory_space<vmem>>, %arg5: memref<1x1x6784xf32, #tpu.memory_space<vmem>>, %arg6: memref<1x1x6784xi32, #tpu.memory_space<vmem>>, %arg7: memref<1x3x128x1xf32, #tpu.memory_space<vmem>>, %arg8: memref<1x3x128x1xi32, #tpu.memory_space<vmem>>, %arg9: memref<1x6784x128xf32, #tpu.memory_space<vmem>>, %arg10: memref<1x4x6784xf32, #tpu.memory_space<vmem>>, %arg11: memref<1x1x6784xf32, #tpu.memory_space<vmem>>) attributes {dimension_semantics = [#tpu.dimension_semantics<arbitrary>, #tpu.dimension_semantics<arbitrary>], iteration_bounds = array<i64: 16, 3>, scalar_prefetch = 0 : i64, scratch_operands = 0 : i64, tpu.core_type = #tpu.core_type<tc>, window_params = [{transform_indices = @transform_0, window_bounds = array<i64: 4, 6784>}, {transform_indices = @transform_1, window_bounds = array<i64: 1, 4, 128>}, {transform_indices = @transform_2, window_bounds = array<i64: 1, 1, 128>}, {transform_indices = @transform_3, window_bounds = array<i64: 1, 1, 6784>}, {transform_indices = @transform_4, window_bounds = array<i64: 1, 1, 6784>}, {transform_indices = @transform_5, window_bounds = array<i64: 1, 3, 128, 1>}, {transform_indices = @transform_6, window_bounds = array<i64: 1, 3, 128, 1>}, {transform_indices = @transform_7, window_bounds = array<i64: 1, 6784, 128>}, {transform_indices = @transform_8, window_bounds = array<i64: 1, 4, 6784>}, {transform_indices = @transform_9, window_bounds = array<i64: 1, 1, 6784>}]} {
    %get3A = arith.constant 0 : index
    %get3A_0 = arith.constant 0 : index
    %get3A_1 = arith.constant 0 : index
    %get3A_2 = arith.constant 0 : index
    %get3A_3 = vector.load %arg7[%get3A, %get3A_0, %get3A_1, %get3A_2] : memref<1x3x128x1xf32, #tpu.memory_space<vmem>>, vector<1x1x128x1xf32>
    %get3A_4 = vector.shape_cast %get3A_3 : vector<1x1x128x1xf32> to vector<128x1xf32>
    %get3A_5 = arith.constant 0 : index
    %get3A_6 = arith.constant 1 : index
    %get3A_7 = arith.constant 0 : index
    %get3A_8 = arith.constant 0 : index
    %get3A_9 = vector.load %arg7[%get3A_5, %get3A_6, %get3A_7, %get3A_8] : memref<1x3x128x1xf32, #tpu.memory_space<vmem>>, vector<1x1x128x1xf32>
    %get3A_10 = vector.shape_cast %get3A_9 : vector<1x1x128x1xf32> to vector<128x1xf32>
    %max3A = arith.maximumf %get3A_4, %get3A_10 : vector<128x1xf32>
    %get3A_11 = arith.constant 0 : index
    %get3A_12 = arith.constant 2 : index
    %get3A_13 = arith.constant 0 : index
    %get3A_14 = arith.constant 0 : index
    %get3A_15 = vector.load %arg7[%get3A_11, %get3A_12, %get3A_13, %get3A_14] : memref<1x3x128x1xf32, #tpu.memory_space<vmem>>, vector<1x1x128x1xf32>
    %get3A_16 = vector.shape_cast %get3A_15 : vector<1x1x128x1xf32> to vector<128x1xf32>
    %max3A_17 = arith.maximumf %max3A, %get3A_16 : vector<128x1xf32>
    %broadcast_in_dim3A = arith.constant 1073741824 : i32
    %broadcast_in_dim3A_18 = vector.broadcast %broadcast_in_dim3A : i32 to vector<128x1xi32>
    %get3A_19 = arith.constant 0 : index
    %get3A_20 = arith.constant 0 : index
    %get3A_21 = arith.constant 0 : index
    %get3A_22 = arith.constant 0 : index
    %get3A_23 = vector.load %arg7[%get3A_19, %get3A_20, %get3A_21, %get3A_22] : memref<1x3x128x1xf32, #tpu.memory_space<vmem>>, vector<1x1x128x1xf32>
    %get3A_24 = vector.shape_cast %get3A_23 : vector<1x1x128x1xf32> to vector<128x1xf32>
    %eq3A = arith.cmpf oeq, %get3A_24, %max3A_17 : vector<128x1xf32>
    %get3A_25 = arith.constant 0 : index
    %get3A_26 = arith.constant 0 : index
    %get3A_27 = arith.constant 0 : index
    %get3A_28 = arith.constant 0 : index
    %get3A_29 = vector.load %arg8[%get3A_25, %get3A_26, %get3A_27, %get3A_28] : memref<1x3x128x1xi32, #tpu.memory_space<vmem>>, vector<1x1x128x1xi32>
    %get3A_30 = vector.shape_cast %get3A_29 : vector<1x1x128x1xi32> to vector<128x1xi32>
    %jit3A = arith.constant 1073741824 : i32
    %broadcast_in_dim3A_31 = vector.broadcast %jit3A : i32 to vector<128x1xi32>
    %select_n3A = arith.select %eq3A, %get3A_30, %broadcast_in_dim3A_31 : vector<128x1xi1>, vector<128x1xi32>
    %min3A = arith.minsi %broadcast_in_dim3A_18, %select_n3A : vector<128x1xi32>
    %get3A_32 = arith.constant 0 : index
    %get3A_33 = arith.constant 1 : index
    %get3A_34 = arith.constant 0 : index
    %get3A_35 = arith.constant 0 : index
    %get3A_36 = vector.load %arg7[%get3A_32, %get3A_33, %get3A_34, %get3A_35] : memref<1x3x128x1xf32, #tpu.memory_space<vmem>>, vector<1x1x128x1xf32>
    %get3A_37 = vector.shape_cast %get3A_36 : vector<1x1x128x1xf32> to vector<128x1xf32>
    %eq3A_38 = arith.cmpf oeq, %get3A_37, %max3A_17 : vector<128x1xf32>
    %get3A_39 = arith.constant 0 : index
    %get3A_40 = arith.constant 1 : index
    %get3A_41 = arith.constant 0 : index
    %get3A_42 = arith.constant 0 : index
    %get3A_43 = vector.load %arg8[%get3A_39, %get3A_40, %get3A_41, %get3A_42] : memref<1x3x128x1xi32, #tpu.memory_space<vmem>>, vector<1x1x128x1xi32>
    %get3A_44 = vector.shape_cast %get3A_43 : vector<1x1x128x1xi32> to vector<128x1xi32>
    %jit3A_45 = arith.constant 1073741824 : i32
    %broadcast_in_dim3A_46 = vector.broadcast %jit3A_45 : i32 to vector<128x1xi32>
    %select_n3A_47 = arith.select %eq3A_38, %get3A_44, %broadcast_in_dim3A_46 : vector<128x1xi1>, vector<128x1xi32>
    %min3A_48 = arith.minsi %min3A, %select_n3A_47 : vector<128x1xi32>
    %get3A_49 = arith.constant 0 : index
    %get3A_50 = arith.constant 2 : index
    %get3A_51 = arith.constant 0 : index
    %get3A_52 = arith.constant 0 : index
    %get3A_53 = vector.load %arg7[%get3A_49, %get3A_50, %get3A_51, %get3A_52] : memref<1x3x128x1xf32, #tpu.memory_space<vmem>>, vector<1x1x128x1xf32>
    %get3A_54 = vector.shape_cast %get3A_53 : vector<1x1x128x1xf32> to vector<128x1xf32>
    %eq3A_55 = arith.cmpf oeq, %get3A_54, %max3A_17 : vector<128x1xf32>
    %get3A_56 = arith.constant 0 : index
    %get3A_57 = arith.constant 2 : index
    %get3A_58 = arith.constant 0 : index
    %get3A_59 = arith.constant 0 : index
    %get3A_60 = vector.load %arg8[%get3A_56, %get3A_57, %get3A_58, %get3A_59] : memref<1x3x128x1xi32, #tpu.memory_space<vmem>>, vector<1x1x128x1xi32>
    %get3A_61 = vector.shape_cast %get3A_60 : vector<1x1x128x1xi32> to vector<128x1xi32>
    %jit3A_62 = arith.constant 1073741824 : i32
    %broadcast_in_dim3A_63 = vector.broadcast %jit3A_62 : i32 to vector<128x1xi32>
    %select_n3A_64 = arith.select %eq3A_55, %get3A_61, %broadcast_in_dim3A_63 : vector<128x1xi1>, vector<128x1xi32>
    %min3A_65 = arith.minsi %min3A_48, %select_n3A_64 : vector<128x1xi32>
    %reduce_max3A = vector.shape_cast %max3A_17 : vector<128x1xf32> to vector<1x128x1xf32>
    %reduce_max3A_66 = arith.constant dense<0xFF800000> : vector<1xf32>
    %reduce_max3A_67 = vector.multi_reduction <maximumf>, %reduce_max3A, %reduce_max3A_66 [1, 2] : vector<1x128x1xf32> to vector<1xf32>
    %reduce_max3A_68 = vector.shape_cast %reduce_max3A_67 : vector<1xf32> to vector<1x1x1xf32>
    %reduce_max3A_69 = vector.extract %reduce_max3A_68[0, 0, 0] : f32 from vector<1x1x1xf32>
    %ge3A = arith.constant 5.000000e-01 : f32
    %ge3A_70 = arith.cmpf oge, %reduce_max3A_69, %ge3A : f32
    %get3A_71 = arith.constant 0 : index
    %get3A_72 = arith.constant 0 : index
    %get3A_73 = arith.constant 0 : index
    %get3A_74 = vector.load %arg5[%get3A_71, %get3A_72, %get3A_73] : memref<1x1x6784xf32, #tpu.memory_space<vmem>>, vector<1x1x6784xf32>
    %get3A_75 = vector.shape_cast %get3A_74 : vector<1x1x6784xf32> to vector<1x6784xf32>
    %get3A_76 = arith.constant 0 : index
    %get3A_77 = arith.constant 0 : index
    %get3A_78 = arith.constant 0 : index
    %get3A_79 = vector.load %arg6[%get3A_76, %get3A_77, %get3A_78] : memref<1x1x6784xi32, #tpu.memory_space<vmem>>, vector<1x1x6784xi32>
    %get3A_80 = vector.shape_cast %get3A_79 : vector<1x1x6784xi32> to vector<1x6784xi32>
    %iota3A = tpu.iota {dimensions = array<i32: 0>} : vector<128x6784xi32>
    %eq3A_81 = vector.broadcast %get3A_80 : vector<1x6784xi32> to vector<128x6784xi32>
    %eq3A_82 = arith.cmpi eq, %iota3A, %eq3A_81 : vector<128x6784xi32>
    %convert_element_type3A = arith.extui %eq3A_82 : vector<128x6784xi1> to vector<128x6784xi32>
    %convert_element_type3A_83 = arith.sitofp %convert_element_type3A : vector<128x6784xi32> to vector<128x6784xf32>
    %get3A_84 = arith.constant 0 : index
    %get3A_85 = arith.constant 0 : index
    %get3A_86 = arith.constant 0 : index
    %get3A_87 = vector.load %arg3[%get3A_84, %get3A_85, %get3A_86] : memref<1x4x128xf32, #tpu.memory_space<vmem>>, vector<1x4x128xf32>
    %get3A_88 = vector.shape_cast %get3A_87 : vector<1x4x128xf32> to vector<4x128xf32>
    %get3A_89 = arith.constant 0 : index
    %get3A_90 = arith.constant 0 : index
    %get3A_91 = arith.constant 0 : index
    %get3A_92 = vector.load %arg4[%get3A_89, %get3A_90, %get3A_91] : memref<1x1x128xf32, #tpu.memory_space<vmem>>, vector<1x1x128xf32>
    %get3A_93 = vector.shape_cast %get3A_92 : vector<1x1x128xf32> to vector<1x128xf32>
    %concatenate3A = tpu.concatenate %get3A_88, %get3A_93 in 0 : vector<4x128xf32>, vector<1x128xf32> -> vector<5x128xf32>
    %dot_general3A = arith.constant dense<0.000000e+00> : vector<5x6784xf32>
    %dot_general3A_94 = tpu.matmul %concatenate3A, %convert_element_type3A_83, %dot_general3A {dimension_numbers = #tpu.dot_dimension_numbers<[1], [0], [0], [1], [0, 0, 1, 1], [], []>, precision = #tpu.contract_precision<fp32>, transpose_lhs_hint = false} : vector<5x128xf32>, vector<128x6784xf32>, vector<5x6784xf32> -> vector<5x6784xf32>
    %iota3A_95 = tpu.iota {dimensions = array<i32: 1>} : vector<128x6784xi32>
    %mul3A = arith.constant 6784 : i32
    %mul3A_96 = arith.muli %arg1, %mul3A : i32
    %add3A = vector.broadcast %mul3A_96 : i32 to vector<128x6784xi32>
    %add3A_97 = arith.addi %iota3A_95, %add3A : vector<128x6784xi32>
    %eq3A_98 = vector.broadcast %min3A_65 : vector<128x1xi32> to vector<128x6784xi32>
    %eq3A_99 = arith.cmpi eq, %add3A_97, %eq3A_98 : vector<128x6784xi32>
    %reduce_or3A = arith.constant 1.000000e+00 : f32
    %reduce_or3A_100 = arith.constant 0.000000e+00 : f32
    %reduce_or3A_101 = vector.broadcast %reduce_or3A : f32 to vector<128x6784xf32>
    %reduce_or3A_102 = vector.broadcast %reduce_or3A_100 : f32 to vector<128x6784xf32>
    %reduce_or3A_103 = arith.select %eq3A_99, %reduce_or3A_101, %reduce_or3A_102 : vector<128x6784xi1>, vector<128x6784xf32>
    %reduce_or3A_104 = arith.constant dense<0xFF800000> : vector<6784xf32>
    %reduce_or3A_105 = vector.multi_reduction <maximumf>, %reduce_or3A_103, %reduce_or3A_104 [0] : vector<128x6784xf32> to vector<6784xf32>
    %reduce_or3A_106 = arith.constant 0.000000e+00 : f32
    %reduce_or3A_107 = vector.broadcast %reduce_or3A_106 : f32 to vector<6784xf32>
    %reduce_or3A_108 = arith.cmpf ogt, %reduce_or3A_105, %reduce_or3A_107 : vector<6784xf32>
    %broadcast_in_dim3A_109 = vector.shape_cast %reduce_or3A_108 : vector<6784xi1> to vector<1x6784xi1>
    %ge3A_110 = arith.constant 5.000000e-01 : f32
    %ge3A_111 = vector.broadcast %ge3A_110 : f32 to vector<1x6784xf32>
    %ge3A_112 = arith.cmpf oge, %get3A_75, %ge3A_111 : vector<1x6784xf32>
    %and3A = vector.broadcast %ge3A_70 : i1 to vector<1x6784xi1>
    %and3A_113 = arith.andi %and3A, %ge3A_112 : vector<1x6784xi1>
    %not3A = arith.constant true
    %not3A_114 = arith.xori %ge3A_70, %not3A : i1
    %and3A_115 = vector.broadcast %not3A_114 : i1 to vector<1x6784xi1>
    %and3A_116 = arith.andi %and3A_115, %broadcast_in_dim3A_109 : vector<1x6784xi1>
    %or3A = arith.ori %and3A_113, %and3A_116 : vector<1x6784xi1>
    %lt3A = arith.constant 4.000000e-01 : f32
    %lt3A_117 = vector.broadcast %lt3A : f32 to vector<1x6784xf32>
    %lt3A_118 = arith.cmpf olt, %get3A_75, %lt3A_117 : vector<1x6784xf32>
    %convert_element_type3A_119 = arith.extui %or3A : vector<1x6784xi1> to vector<1x6784xi32>
    %convert_element_type3A_120 = arith.sitofp %convert_element_type3A_119 : vector<1x6784xi32> to vector<1x6784xf32>
    %sub3A = arith.constant 1.000000e+00 : f32
    %sub3A_121 = vector.broadcast %sub3A : f32 to vector<1x6784xf32>
    %sub3A_122 = arith.subf %sub3A_121, %convert_element_type3A_120 : vector<1x6784xf32>
    %convert_element_type3A_123 = arith.extui %lt3A_118 : vector<1x6784xi1> to vector<1x6784xi32>
    %convert_element_type3A_124 = arith.sitofp %convert_element_type3A_123 : vector<1x6784xi32> to vector<1x6784xf32>
    %sub3A_125 = arith.constant 1.000000e+00 : f32
    %sub3A_126 = vector.broadcast %sub3A_125 : f32 to vector<1x6784xf32>
    %sub3A_127 = arith.subf %sub3A_126, %convert_element_type3A_124 : vector<1x6784xf32>
    %mul3A_128 = arith.mulf %sub3A_122, %sub3A_127 : vector<1x6784xf32>
    %sub3A_129 = arith.subf %convert_element_type3A_120, %mul3A_128 : vector<1x6784xf32>
    %reshape3A = vector.shape_cast %sub3A_129 : vector<1x6784xf32> to vector<1x1x6784xf32>
    %swap3A = arith.constant 0 : index
    %swap3A_130 = arith.constant 0 : index
    %swap3A_131 = arith.constant 0 : index
    %swap3A_132 = vector.load %arg11[%swap3A, %swap3A_130, %swap3A_131] : memref<1x1x6784xf32, #tpu.memory_space<vmem>>, vector<1x1x6784xf32>
    tpu.vector_store %arg11[%swap3A, %swap3A_130, %swap3A_131], %reshape3A {strides = array<i32>} : memref<1x1x6784xf32, #tpu.memory_space<vmem>>, vector<1x1x6784xf32>,
    %iota3A_133 = tpu.iota {dimensions = array<i32: 1>} : vector<128x128xi32>
    %get3A_134 = arith.constant 0 : index
    %get3A_135 = arith.constant 0 : index
    %get3A_136 = arith.constant 0 : index
    %get3A_137 = vector.load %arg4[%get3A_134, %get3A_135, %get3A_136] : memref<1x1x128xf32, #tpu.memory_space<vmem>>, vector<1x1x128xf32>
    %get3A_138 = vector.shape_cast %get3A_137 : vector<1x1x128xf32> to vector<1x128xf32>
    %convert_element_type3A_139 = arith.fptosi %get3A_138 : vector<1x128xf32> to vector<1x128xi32>
    %reshape3A_140 = vector.shape_cast %convert_element_type3A_139 : vector<1x128xi32> to vector<128x1xi32>
    %add3A_141 = arith.constant 1 : i32
    %add3A_142 = vector.broadcast %add3A_141 : i32 to vector<128x1xi32>
    %add3A_143 = arith.addi %reshape3A_140, %add3A_142 : vector<128x1xi32>
    %eq3A_144 = vector.broadcast %add3A_143 : vector<128x1xi32> to vector<128x128xi32>
    %eq3A_145 = arith.cmpi eq, %iota3A_133, %eq3A_144 : vector<128x128xi32>
    %convert_element_type3A_146 = arith.extui %eq3A_145 : vector<128x128xi1> to vector<128x128xi32>
    %convert_element_type3A_147 = arith.sitofp %convert_element_type3A_146 : vector<128x128xi32> to vector<128x128xf32>
    %iota3A_148 = tpu.iota {dimensions = array<i32: 1>} : vector<1x128xi32>
    %lt3A_149 = arith.constant 81 : i32
    %lt3A_150 = vector.broadcast %lt3A_149 : i32 to vector<1x128xi32>
    %lt3A_151 = arith.cmpi slt, %iota3A_148, %lt3A_150 : vector<1x128xi32>
    %jit3A_152 = arith.constant -1.000000e+00 : f32
    %jit3A_153 = arith.constant 0.000000e+00 : f32
    %broadcast_in_dim3A_154 = vector.broadcast %jit3A_152 : f32 to vector<1x128xf32>
    %broadcast_in_dim3A_155 = vector.broadcast %jit3A_153 : f32 to vector<1x128xf32>
    %select_n3A_156 = arith.select %lt3A_151, %broadcast_in_dim3A_154, %broadcast_in_dim3A_155 : vector<1x128xi1>, vector<1x128xf32>
    %concatenate3A_157 = tpu.concatenate %convert_element_type3A_147, %select_n3A_156 in 0 : vector<128x128xf32>, vector<1x128xf32> -> vector<129x128xf32>
    %mul3A_158 = vector.broadcast %convert_element_type3A_120 : vector<1x6784xf32> to vector<128x6784xf32>
    %mul3A_159 = arith.mulf %convert_element_type3A_83, %mul3A_158 : vector<128x6784xf32>
    %concatenate3A_160 = tpu.concatenate %mul3A_159, %mul3A_128 in 0 : vector<128x6784xf32>, vector<1x6784xf32> -> vector<129x6784xf32>
    %dot_general3A_161 = arith.constant dense<0.000000e+00> : vector<6784x128xf32>
    %dot_general3A_162 = tpu.matmul %concatenate3A_160, %concatenate3A_157, %dot_general3A_161 {dimension_numbers = #tpu.dot_dimension_numbers<[0], [0], [1], [1], [0, 1, 1, 1], [], []>, transpose_lhs_hint = false} : vector<129x6784xf32>, vector<129x128xf32>, vector<6784x128xf32> -> vector<6784x128xf32>
    %reshape3A_163 = vector.shape_cast %dot_general3A_162 : vector<6784x128xf32> to vector<1x6784x128xf32>
    %swap3A_164 = arith.constant 0 : index
    %swap3A_165 = arith.constant 0 : index
    %swap3A_166 = arith.constant 0 : index
    %swap3A_167 = vector.load %arg9[%swap3A_164, %swap3A_165, %swap3A_166] : memref<1x6784x128xf32, #tpu.memory_space<vmem>>, vector<1x6784x128xf32>
    tpu.vector_store %arg9[%swap3A_164, %swap3A_165, %swap3A_166], %reshape3A_163 {strides = array<i32>} : memref<1x6784x128xf32, #tpu.memory_space<vmem>>, vector<1x6784x128xf32>,
    %get3A_168 = arith.constant 0 : index
    %get3A_169 = arith.constant 0 : index
    %get3A_170 = vector.load %arg2[%get3A_168, %get3A_169] : memref<4x6784xf32, #tpu.memory_space<vmem>>, vector<4x6784xf32>
    %slice3A = vector.extract_strided_slice %dot_general3A_94 {offsets = [0, 0], sizes = [1, 6784], strides = [1, 1]} : vector<5x6784xf32> to vector<1x6784xf32>
    %slice3A_171 = vector.extract_strided_slice %dot_general3A_94 {offsets = [1, 0], sizes = [1, 6784], strides = [1, 1]} : vector<5x6784xf32> to vector<1x6784xf32>
    %slice3A_172 = vector.extract_strided_slice %dot_general3A_94 {offsets = [2, 0], sizes = [1, 6784], strides = [1, 1]} : vector<5x6784xf32> to vector<1x6784xf32>
    %slice3A_173 = vector.extract_strided_slice %dot_general3A_94 {offsets = [3, 0], sizes = [1, 6784], strides = [1, 1]} : vector<5x6784xf32> to vector<1x6784xf32>
    %add3A_174 = arith.addf %slice3A, %slice3A_172 : vector<1x6784xf32>
    %div3A = arith.constant 2.000000e+00 : f32
    %div3A_175 = vector.broadcast %div3A : f32 to vector<1x6784xf32>
    %div3A_176 = arith.divf %add3A_174, %div3A_175 : vector<1x6784xf32>
    %add3A_177 = arith.addf %slice3A_171, %slice3A_173 : vector<1x6784xf32>
    %div3A_178 = arith.constant 2.000000e+00 : f32
    %div3A_179 = vector.broadcast %div3A_178 : f32 to vector<1x6784xf32>
    %div3A_180 = arith.divf %add3A_177, %div3A_179 : vector<1x6784xf32>
    %sub3A_181 = arith.subf %slice3A_172, %slice3A : vector<1x6784xf32>
    %sub3A_182 = arith.subf %slice3A_173, %slice3A_171 : vector<1x6784xf32>
    %slice3A_183 = vector.extract_strided_slice %get3A_170 {offsets = [0, 0], sizes = [1, 6784], strides = [1, 1]} : vector<4x6784xf32> to vector<1x6784xf32>
    %sub3A_184 = arith.subf %div3A_176, %slice3A_183 : vector<1x6784xf32>
    %slice3A_185 = vector.extract_strided_slice %get3A_170 {offsets = [2, 0], sizes = [1, 6784], strides = [1, 1]} : vector<4x6784xf32> to vector<1x6784xf32>
    %div3A_186 = arith.constant 1.000000e+01 : f32
    %div3A_187 = vector.broadcast %div3A_186 : f32 to vector<1x6784xf32>
    %div3A_188 = arith.divf %slice3A_185, %div3A_187 : vector<1x6784xf32>
    %div3A_189 = arith.divf %sub3A_184, %div3A_188 : vector<1x6784xf32>
    %slice3A_190 = vector.extract_strided_slice %get3A_170 {offsets = [1, 0], sizes = [1, 6784], strides = [1, 1]} : vector<4x6784xf32> to vector<1x6784xf32>
    %sub3A_191 = arith.subf %div3A_180, %slice3A_190 : vector<1x6784xf32>
    %slice3A_192 = vector.extract_strided_slice %get3A_170 {offsets = [3, 0], sizes = [1, 6784], strides = [1, 1]} : vector<4x6784xf32> to vector<1x6784xf32>
    %div3A_193 = arith.constant 1.000000e+01 : f32
    %div3A_194 = vector.broadcast %div3A_193 : f32 to vector<1x6784xf32>
    %div3A_195 = arith.divf %slice3A_192, %div3A_194 : vector<1x6784xf32>
    %div3A_196 = arith.divf %sub3A_191, %div3A_195 : vector<1x6784xf32>
    %slice3A_197 = vector.extract_strided_slice %get3A_170 {offsets = [2, 0], sizes = [1, 6784], strides = [1, 1]} : vector<4x6784xf32> to vector<1x6784xf32>
    %div3A_198 = arith.divf %sub3A_181, %slice3A_197 : vector<1x6784xf32>
    %log3A = math.log %div3A_198 : vector<1x6784xf32>
    %mul3A_199 = arith.constant 5.000000e+00 : f32
    %mul3A_200 = vector.broadcast %mul3A_199 : f32 to vector<1x6784xf32>
    %mul3A_201 = arith.mulf %log3A, %mul3A_200 : vector<1x6784xf32>
    %slice3A_202 = vector.extract_strided_slice %get3A_170 {offsets = [3, 0], sizes = [1, 6784], strides = [1, 1]} : vector<4x6784xf32> to vector<1x6784xf32>
    %div3A_203 = arith.divf %sub3A_182, %slice3A_202 : vector<1x6784xf32>
    %log3A_204 = math.log %div3A_203 : vector<1x6784xf32>
    %mul3A_205 = arith.constant 5.000000e+00 : f32
    %mul3A_206 = vector.broadcast %mul3A_205 : f32 to vector<1x6784xf32>
    %mul3A_207 = arith.mulf %log3A_204, %mul3A_206 : vector<1x6784xf32>
    %concatenate3A_208 = tpu.concatenate %div3A_189, %div3A_196, %mul3A_201, %mul3A_207 in 0 : vector<1x6784xf32>, vector<1x6784xf32>, vector<1x6784xf32>, vector<1x6784xf32> -> vector<4x6784xf32>
    %reshape3A_209 = vector.shape_cast %concatenate3A_208 : vector<4x6784xf32> to vector<1x4x6784xf32>
    %swap3A_210 = arith.constant 0 : index
    %swap3A_211 = arith.constant 0 : index
    %swap3A_212 = arith.constant 0 : index
    %swap3A_213 = vector.load %arg10[%swap3A_210, %swap3A_211, %swap3A_212] : memref<1x4x6784xf32, #tpu.memory_space<vmem>>, vector<1x4x6784xf32>
    tpu.vector_store %arg10[%swap3A_210, %swap3A_211, %swap3A_212], %reshape3A_209 {strides = array<i32>} : memref<1x4x6784xf32, #tpu.memory_space<vmem>>, vector<1x4x6784xf32>,
    return
  }
  func.func @transform_0(%arg0: i32, %arg1: i32) -> (i32, i32) {
    %c0_i32 = arith.constant 0 : i32
    %c0_i32_0 = arith.constant 0 : i32
    return %c0_i32, %arg1 : i32, i32
  }
  func.func @transform_1(%arg0: i32, %arg1: i32) -> (i32, i32, i32) {
    %c0_i32 = arith.constant 0 : i32
    %c0_i32_0 = arith.constant 0 : i32
    %c0_i32_1 = arith.constant 0 : i32
    return %arg0, %c0_i32, %c0_i32_0 : i32, i32, i32
  }
  func.func @transform_2(%arg0: i32, %arg1: i32) -> (i32, i32, i32) {
    %c0_i32 = arith.constant 0 : i32
    %c0_i32_0 = arith.constant 0 : i32
    %c0_i32_1 = arith.constant 0 : i32
    return %arg0, %c0_i32, %c0_i32_0 : i32, i32, i32
  }
  func.func @transform_3(%arg0: i32, %arg1: i32) -> (i32, i32, i32) {
    %c0_i32 = arith.constant 0 : i32
    %c0_i32_0 = arith.constant 0 : i32
    return %arg0, %c0_i32, %arg1 : i32, i32, i32
  }
  func.func @transform_4(%arg0: i32, %arg1: i32) -> (i32, i32, i32) {
    %c0_i32 = arith.constant 0 : i32
    %c0_i32_0 = arith.constant 0 : i32
    return %arg0, %c0_i32, %arg1 : i32, i32, i32
  }
  func.func @transform_5(%arg0: i32, %arg1: i32) -> (i32, i32, i32, i32) {
    %c0_i32 = arith.constant 0 : i32
    %c0_i32_0 = arith.constant 0 : i32
    %c0_i32_1 = arith.constant 0 : i32
    %c0_i32_2 = arith.constant 0 : i32
    return %arg0, %c0_i32, %c0_i32_0, %c0_i32_1 : i32, i32, i32, i32
  }
  func.func @transform_6(%arg0: i32, %arg1: i32) -> (i32, i32, i32, i32) {
    %c0_i32 = arith.constant 0 : i32
    %c0_i32_0 = arith.constant 0 : i32
    %c0_i32_1 = arith.constant 0 : i32
    %c0_i32_2 = arith.constant 0 : i32
    return %arg0, %c0_i32, %c0_i32_0, %c0_i32_1 : i32, i32, i32, i32
  }
  func.func @transform_7(%arg0: i32, %arg1: i32) -> (i32, i32, i32) {
    %c0_i32 = arith.constant 0 : i32
    %c0_i32_0 = arith.constant 0 : i32
    return %arg0, %arg1, %c0_i32 : i32, i32, i32
  }
  func.func @transform_8(%arg0: i32, %arg1: i32) -> (i32, i32, i32) {
    %c0_i32 = arith.constant 0 : i32
    %c0_i32_0 = arith.constant 0 : i32
    return %arg0, %c0_i32, %arg1 : i32, i32, i32
  }
  func.func @transform_9(%arg0: i32, %arg1: i32) -> (i32, i32, i32) {
    %c0_i32 = arith.constant 0 : i32
    %c0_i32_0 = arith.constant 0 : i32
    return %arg0, %c0_i32, %arg1 : i32, i32, i32
  }
}

</mosaic_0001>

<sc_bundles>
// kernel: sparse-core-data-format-call.cloned.1.call-start
scs
called_computation_lowered:
.L_overlay_start_0:
0x0: {  	s2 =	sld [smem:$0x3FD9]  }
0x1: {  	s3 =	sld [smem:$0x3FFE];
	_ =	sdelay $0x1  }
0x2: {  	s1 =	srdreg.scid  }
0x3: {  	s0 =	sand.u32 $0x1, s1  }
0x4: {  	s15 =	sshll.u32 s0, $0xA;
	s2 =	sadd.s32 s3, s2  }
0x5: {  	s2 =	sadd.s32 s2, s15  }
0x6: {  	[smem:$0x3FC5] =	sst s2  }
0x7: {  	_ = 	snop  }
0x8: {  	s2 =	sld [smem:$0x3FD0];
	_ =	sdelay $0x2  }
0x9: {  	s16 =	simm.s32 $0xA;
	s4 =	simm.s32 $0x10  }
0xa: {  	[smem:s4], [sflag:s16] =	dma.local [hbm:s2], $0x1  }
0xb: {  	_ =	swait.eq [sflag:s16], $0x1  }
0xc: {  	[sflag:s16] =	ssyncset.done $0x0  }
0xd: {  	[sflag:s16] =	ssyncadd.s32 $0xFFFFFFFF  }
0xe: {  	s17 =	sld [smem:$0x10];
	(tm) =	ssettm $0x1  }
0xf: {  	s18 =	sld [smem:$0x3FFB];
	_ =	sdelay $0x3  }
0x10: {  	_ =	strace s18  }
0x11: {  	s3 =	sld [smem:$0x3FFC];
	_ =	sdelay $0x3  }
0x12: {  	_ =	strace s3  }
0x13: {  	s3 =	sld [smem:$0x3FFD];
	_ =	sdelay $0x3  }
0x14: {  	_ =	strace s3  }
0x15: {  	_ =	strace $0x8FFFFFFF  }
0x16: {  	s19 =	sld [smem:$0x3FDB];
	_ =	sdelay $0x1  }
0x17: {  	s20 =	simm.s32 $_scs_section_size  }
0x18: {  	s5 =	simm.s32 $_size__tile_overlayer_lowered;
	s6 =	simm.s32 $_tile_overlayer_lowered  }
0x19: {  	s23 =	simm.s32 $0x1BFF;
	s22 =	sshll.u32 s6, $0x1;
	s3 =	sadd.s32 s20, s19  }
0x1a: {  	s7 =	simm.s32 $0x0;
	s21 =	sshll.u32 s5, $0x1;
	s5 =	sadd.s32 s22, s3  }
0x1b: {  	[timem:s7], [sflag:s23] =	dma.local [hbm:s5], s21  }
0x1c: {  	_ =	swait.ge [sflag:s23], s21  }
0x1d: {  	s4 =	ssub.s32 $0x0, s21;
	[sflag:s23] =	ssyncset.done $0x0  }
0x1e: {  	[sflag:s23] =	ssyncadd.s32 s4;
	_ =	sdelay $0x1  }
0x1f: {  	s24 =	simm.s32 $0x1B8B  }
0x20: {  	_ =	swait.ge [sflag:s24], $0x1  }
0x21: {  	[sflag:s24] =	ssyncset.done $0x0  }
0x22: {  	s26 =	simm.s32 $0x1B8E;
	s25 =	sld [smem:$0x3FFE];
	[sflag:s24] =	ssyncadd.s32 $0xFFFFFFFF  }
0x23: {  	s27 =	simm.s32 $execute0_lowered;
	[smem:$0x3FD2] =	sst s26  }
0x24: {  	s5 =	sshll.u32 s27, $0x1;
	_ =	strace $0x80000046;
	[dreg:$0x1] =	wrdreg $0xFFFFFFFF  }
0x25: {  	s28 =	simm.s32 $_size_execute0_lowered;
	s3 =	sadd.s32 s3, s5;
	[dreg:$0x0] =	wrdreg $0x0  }
0x26: {  	s5 =	sshll.u32 s28, $0x1;
	[dreg:$0x2] =	wrdreg s3  }
0x27: {  	[dreg:$0x3] =	wrdreg s5  }
0x28: {  	[dreg:$0x4] =	wrdreg $0xC0  }
0x29: {  	_ =	task [dreg:s7], $0x5FFFF  }
0x2a: {  	[dreg:$0x1] =	wrdreg $0xFFFFFFFF  }
0x2b: {  	[dreg:$0x0] =	wrdreg $0x60  }
0x2c: {  	[dreg:$0x2] =	wrdreg s25  }
0x2d: {  	[dreg:$0x3] =	wrdreg s17  }
0x2e: {  	[dreg:$0x4] =	wrdreg $0x9  }
0x2f: {  	_ =	task.clear_ibuf [dreg:s7], $0x5FFFF;
	_ =	strace $0x90000046  }
0x30: {  	s29 =	simm.s32 $0x9;
	_ =	strace $0x80000048  }
0x31: {  	_ =	swait.ge [sflag:s29], $0x1  }
0x32: {  	[sflag:s29] =	ssyncadd.s32 $0xFFFFFFFF  }
0x33: {  	_ =	strace $0x90000048  }
0x34: {  	_ =	sfence  }
0x35: {  	s30 =	sld [smem:$0x0];
	_ =	sdelay $0x2  }
0x36: {  	s31 =	sshll.u32 s1, $0xD;
	s1 =	sshrl.u32 s1, $0x2  }
0x37: {  	s3 =	sand.u32 $0x4000, s31;
	s1 =	sadd.s32 s1, s30  }
0x38: {  	s0 =	sor.u32 s3, s0;
	s1 =	sshll.u32 s1, $0x11  }
0x39: {  	s0 =	sor.u32 s1, s0  }
0x3a: {  	s0 =	sadd.s32 $0x8F2B, s0  }
0x3b: {  	[sflag:s0] =	ssyncadd.remote.s32 $0x1  }
0x3c: {  	_ =	sfence.sel $0xFFFF  }
0x3d: {  	[dreg:$0x0] =	wrdreg $0xFFFFFFFF;
	(pc) =	sbr.abs _section_cstart, $3  }
0x3e: {  	[dreg:$0x1] =	wrdreg $0xFFFFFFFF  }
0x3f: {  	_ =	task.clear_ibuf [dreg:s7], $0x2FFFF;
	_ =	strace $0x9FFFFFFF  }
0x40: {  	(tm) =	ssettm $0x7FFFFFFF  }
0x41: {  	_ =	shalt  }
tec
execute0_lowered:
.L_overlay_start_1:
0x0: {  	(tag) =	ssettag $0x1  }
0x1: {  	s0 =	rddreg [dreg:$0x0];
	s1 =	srdreg.scid  }
0x2: {  	_ =	strace $0x80000047;
	s29 =	simm.s32 $0x1;
	s31 =	simm.s32 $0x2  }
0x3: {  	s14 =	simm.s32 $0x0;
	s15 =	simm.s32 $0x0;
	s9 =	simm.s32 $0x0  }
.Ltmp0:
0x4: {  	s11 =	simm.s32 $0x0;
	s1 =	sshll.u32 s1, $0x7;
	(pc) =	sbr.rel .LBB1_1-.Ltmp0, $4  }
0x5: {  	s12 =	stileid.u32;
	s13 =	simm.s32 $0x0;
	s4 =	sand.u32 $0x80, s1  }
0x6: {  	s23 =	simm.s32 $0x0;
	s0 =	sadd.s32 $0xC00, s0;
	s30 =	ssub.s32 $0x4E00, s4  }
0x7: {  	[sflag:s29] =	ssyncpa.u1 $0x0;
	[dreg:$0x3] =	wrdreg s0;
	s6 =	sshrl.u32 s30, $0x8  }
0x8: {  	[sflag:s31] =	ssyncpa.u1 $0x0;
	s10 =	smov.u32 s4;
	s7 =	sadd.s32 $0x2, s6  }
.LBB1_11:
0x9: {  	s0 =	sshrl.u32 s11, $0x3;
	s1 =	sshll.u32 s9, $0x3  }
0xa: {  	s2 =	sshll.u32 s11, $0x7;
	p0 =	sgt.s32 s9, $0x4E00;
	s0 =	smul.u32 $0x27400, s0  }
0xb: {  	s1 =	sand.u32 $0xFFFFFC00, s1;
	s27 =	sand.u32 $0x380, s2;
	s2 =	smov.u32 s9  }
0xc: {  	s2 =	simm.s32 @!p0 $0x4E00;
	s0 =	sadd.s32 s0, s1  }
0xd: {  	s28 =	sand.u32 $0x7F, s9;
	s2 =	sadd.s32 s17, s2;
	s0 =	sor.u32 s27, s0  }
0xe: {  	s5 =	sadd.s32 $0xFFFFB200, s2;
	s1 =	sor.u32 s28, s0  }
0xf: {  	s2 =	ssub.s32 $0x4E80, s2;
	p0 =	sgt.s32 s5, $0x7F;
	s3 =	smulhi.u32 $0x342DA7F3, s1  }
0x10: {  	s0 =	smulhi.u32 $0x342DA7F3, s0;
	s2 =	simm.s32 @p0 $0x0  }
0x11: {  	s2 =	smul.u32 s2, s16;
	s3 =	sshrl.u32 s3, $0xC  }
0x12: {  	s3 =	smul.u32 $0x4E80, s3  }
0x13: {  	s29 =	rddreg [dreg:$0x1];
	s30 =	sor.u32 $0x8000, s18;
	s0 =	sshrl.u32 s0, $0xC  }
0x14: {  	s0 =	sand.u32 $0xF, s0;
	s2 =	smul.u32 $0x51, s2;
	s1 =	ssub.s32 s1, s3  }
0x15: {  	s0 =	smul.u32 $0x9D0, s0;
	s3 =	sshrl.u32 s1, $0x3;
	s1 =	sand.u32 $0x7, s1  }
0x16: {  	s31 =	simm.s32 $0x4E800;
	s3 =	sadd.s32 s29, s3;
	s1 =	sshll.u32 s1, $0x12  }
0x17: {  	s2 =	sand.u32 $0x3FFFFFFF, s2;
	s0 =	sadd.s32 s0, s3;
	s1 =	sor.u32 $0x80, s1  }
0x18: {  	[hbm4b:s0+s1] =	stream.strided.scatter [tilespmem:s30], [sflag:$0x2], s2, s31, s1, $0x20;
	[tilespmem:$0x10100] =	vst v63  }
.LBB1_12:
0x19: {  	p0 =	slt.u32 s13, $0x2  }
0x1a: {  	s1 =	smov.u32 s15;
	s2 =	smov.u32 s14;
	p1 =	sgt.s32 @!p0 s15, $0xF  }
0x1b: {  	s0 =	sshra.s32 @!p0 s15, $0x1F;
	p2 =	sgt.s32 @!p0 s14, $0x4E00;
	s3 =	sshra.s32 @!p0 s14, $0x1F  }
0x1c: {  	p1 =	por !p1, p0;
	s0 =	sand.u32 @!p0 s0, s15;
	p2 =	por !p2, p0  }
0x1d: {  	s3 =	sand.u32 @!p0 s3, s14;
	s1 =	simm.s32 @p1 $0xF;
	s2 =	simm.s32 @p2 $0x4E00  }
0x1e: {  	s0 =	ssub.s32 @!p0 s1, s0;
	s1 =	ssub.s32 @!p0 s2, s3  }
0x1f: {  	s2 =	sadd.s32 @!p0 $0xFFFFFFF1, s0;
	s0 =	ssub.s32 @!p0 $0x10, s0;
	s3 =	sadd.s32 @!p0 $0xFFFFB200, s1  }
0x20: {  	p1 =	sgt.s32 @!p0 s2, $0x0;
	s0 =	smul.u32 @!p0 $0x51, s0;
	p2 =	sgt.s32 @!p0 s3, $0x7F  }
0x21: {  	s1 =	ssub.s32 @!p0 $0x4E80, s1;
	p1 =	por !p1, p0;
	p2 =	por !p2, p0  }
0x22: {  	s0 =	simm.s32 @!p1 $0x0;
	s1 =	simm.s32 @!p2 $0x0  }
0x23: {  	s0 =	smul.u32 @!p0 s1, s0;
	s1 =	sadd.s32 $0x100, s10  }
0x24: {  	s5 =	smov.u32 s12;
	s3 =	sadd.s32 $0x10, s12;
	p1 =	sgt.s32 s1, $0x4E1F  }
0x25: {  	s5 =	smov.u32 @p1 s3  }
0x26: {  	s1 =	smov.u32 @p1 s4;
	s3 =	stileid.u32;
	p1 =	sgt.s32 s5, $0xF  }
0x27: {  	s5 =	smov.u32 @p1 s3;
	p1 =	sne.s32 s13, s7  }
.Ltmp1:
0x28: {  	s14 =	smov.u32 s9;
	(pc) =	sbr.rel @!p1 .LBB1_13-.Ltmp1, $4  }
0x29: {  	s15 =	smov.u32 s11;
	s2 =	simm.s32 @!p0 $0x2;
	s0 =	sand.u32 @!p0 $0x3FFFFFFF, s0  }
0x2a: {  	s9 =	smov.u32 s10;
	s11 =	smov.u32 s12;
	_ =	swait.ge @!p0 [sflag:s2], s0  }
0x2b: {  	s0 =	ssub.s32 @!p0 $0x0, s0;
	s10 =	smov.u32 s1;
	[sflag:s2] =	ssyncset.done @!p0 $0x0  }
0x2c: {  	s13 =	sadd.s32 $0x1, s13;
	[sflag:s2] =	ssyncadd.s32 @!p0 s0;
	s12 =	smov.u32 s5  }
.LBB1_1:
0x2d: {  	p0 =	sgt.u32 s13, s6;
	s1 =	smov.u32 s12;
	s8 =	smov.u32 s10  }
0x2e: {  	p1 =	sgt.s32 @!p0 s12, $0xF;
	s0 =	sand.u32 @!p0 $0x1FFFFFF, s10;
	s3 =	sshra.s32 @!p0 s12, $0x1F  }
0x2f: {  	s16 =	sshra.s32 @!p0 s10, $0x1F;
	p1 =	por !p1, p0;
	s2 =	smulhi.u32 @!p0 $0x1A36E2F, s0  }
0x30: {  	s3 =	sand.u32 @!p0 s3, s12;
	s1 =	simm.s32 @p1 $0xF;
	p1 =	sgt.s32 @!p0 s10, $0x4DA0  }
0x31: {  	s16 =	sand.u32 @!p0 s16, s10;
	p1 =	por !p1, p0;
	s1 =	ssub.s32 @!p0 s1, s3  }
0x32: {  	s2 =	sshrl.u32 @!p0 s2, $0x7;
	s8 =	simm.s32 @p1 $0x4DA0;
	s1 =	sadd.s32 @!p0 $0xFFFFFFF1, s1  }
0x33: {  	s2 =	smul.u32 @!p0 $0x4E20, s2;
	s3 =	ssub.s32 @!p0 s8, s16;
	p1 =	sgt.s32 @!p0 s1, $0x0  }
0x34: {  	s1 =	sshll.u32 @!p0 s1, $0x7;
	s16 =	smul.u32 @!p0 $0x4E200, s12;
	s8 =	sadd.s32 @!p0 $0xFFFFB260, s3  }
0x35: {  	s3 =	ssub.s32 @!p0 $0x4E20, s3;
	s1 =	ssub.s32 @!p0 $0x80, s1;
	p2 =	sgt.s32 @!p0 s8, $0x7F  }
0x36: {  	p1 =	por !p1, p0;
	s0 =	ssub.s32 @!p0 s0, s2;
	p2 =	por !p2, p0  }
0x37: {  	s8 =	sxor.u32 @!p0 $0xFFFFFFFF, s13;
	s1 =	simm.s32 @!p1 $0x0;
	s3 =	simm.s32 @!p2 $0x0  }
0x38: {  	s2 =	sshll.u32 @!p0 s8, $0xE;
	s1 =	smul.u32 @!p0 s3, s1;
	s3 =	rddreg [dreg:$0x3]  }
0x39: {  	s0 =	sshll.u32 @!p0 s0, $0x4;
	s2 =	sand.u32 @!p0 $0x4000, s2;
	s3 =	sadd.s32 @!p0 s3, s16  }
0x3a: {  	s1 =	sand.u32 @!p0 $0x3FFFFF80, s1;
	s0 =	sadd.s32 @!p0 s0, s3;
	s3 =	simm.s32 @!p0 $0x0  }
0x3b: {  	[tilespmem:s2], [sflag:$0x1] =	stream.linear.gather @!p0 [hbm4b:s0+s3], s1, $0x38;
	[tilespmem:$0x10100] =	vst v63  }
0x3c: {  	p0 =	seq.s32 s13, $0x0  }
0x3d: {  	p1 =	sge.u32 @!p0 s13, s7  }
0x3e: {  	p0 =	por p0, p1  }
.Ltmp2:
0x3f: {  	_ = 	snop;
	(pc) =	sbr.rel @p0 .LBB1_12-.Ltmp2, $1  }
0x40: {  	_ =	sdelay $0x3  }
0x41: {  	p0 =	sgt.s32 s11, $0xF  }
0x42: {  	s0 =	smov.u32 s11;
	s1 =	sshra.s32 s11, $0x1F;
	s2 =	ssub.s32 $0x0, s9  }
0x43: {  	s3 =	sshra.s32 s9, $0x1F;
	s0 =	simm.s32 @!p0 $0xF;
	s1 =	sand.u32 s1, s11  }
0x44: {  	s8 =	smov.u32 s9;
	p0 =	sgt.s32 s9, $0x4DA0;
	s0 =	ssub.s32 s0, s1  }
0x45: {  	s17 =	sand.u32 s2, s3;
	s8 =	simm.s32 @!p0 $0x4DA0;
	s1 =	sadd.s32 $0xFFFFFFF1, s0  }
0x46: {  	s2 =	sadd.s32 s17, s8;
	s16 =	ssub.s32 $0x10, s0;
	p0 =	sgt.s32 s1, $0x0  }
0x47: {  	s29 =	sadd.s32 $0xFFFFB260, s2;
	s0 =	ssub.s32 $0x4E20, s2;
	s1 =	sadd.s32 $0x1, s11  }
0x48: {  	s2 =	sadd.s32 $0x80, s9;
	s16 =	simm.s32 @p0 $0x0;
	p0 =	slt.s32 s1, $0x10  }
0x49: {  	s1 =	simm.s32 @!p0 $0x10;
	p0 =	slt.s32 s2, $0x4E20  }
0x4a: {  	p1 =	sgt.s32 s29, $0x7F;
	s19 =	ssub.s32 s1, s11;
	s2 =	simm.s32 @!p0 $0x4E20  }
0x4b: {  	s0 =	simm.s32 @p1 $0x0;
	s20 =	ssub.s32 s2, s9;
	p0 =	slt.s32 s19, $0x1  }
0x4c: {  	s0 =	smul.u32 s0, s16;
	p1 =	slt.s32 @!p0 s20, $0x1  }
0x4d: {  	p1 =	por p0, p1  }
.Ltmp3:
0x4e: {  	s0 =	sshll.u32 s0, $0x7;
	(pc) =	sbr.rel @p1 .LBB1_11-.Ltmp3, $4  }
0x4f: {  	s31 =	simm.s32 $0x1;
	s30 =	sand.u32 $0x3FFFFF80, s0  }
0x50: {  	_ =	swait.ge [sflag:s31], s30  }
0x51: {  	s0 =	sand.u32 $0x1, s13;
	s1 =	ssub.s32 $0x0, s30;
	[sflag:s31] =	ssyncset.done $0x0  }
0x52: {  	s18 =	smul.u32 $0x4080, s0;
	[sflag:s31] =	ssyncadd.s32 s1  }
0x53: {  	_ = 	snop  }
0x54: {  	s21 =	sshll.u32 @!p0 s0, $0xE;
	s24 =	simm.s32 $0x0;
	s22 =	sor.u32 @!p0 $0x8000, s18  }
.LBB1_4:
0x55: {  	s0 =	sshll.u32 s24, $0x10  }
0x56: {  	s0 =	sshra.s32 s0, $0x2  }
0x57: {  	s0 =	sadd.s32 s0, s21  }
0x58: {  	v0 =	vmov s0;
	_ =	sdelay $0x2  }
0x59: {  	s31 =	sand.u32 $0x7, s24  }
0x5a: {  	s2 =	sand.u32 $0x3F80, s23;
	p1 =	sne.s32 s20, $0x1;
	s0 =	smul.u32 $0x204, s31  }
.Ltmp4:
0x5b: {  	v11 =	vld.idx.msk [tilespmem:v0+s2+$0x0 ss:$0x1], $0xffff;
	(pc) =	sbr.rel @!p1 .LBB1_5-.Ltmp4, $4  }
0x5c: {  	s1 =	simm.s32 $0x1;
	s0 =	sshrl.u32 s0, $0x2;
	v8 =	vld.idx.msk [tilespmem:v0+s2+$0x10 ss:$0x1], $0xffff  }
0x5d: {  	s8 =	sand.u32 $0x7F, s23;
	p0 =	por $0x0, $0x0;
	s30 =	sadd.s32 s0, s22;
	v9 =	vld.idx.msk [tilespmem:v0+s2+$0x20 ss:$0x1], $0xffff  }
0x5e: {  	s0 =	simm.s32 $0x80;
	s28 =	sadd.s32 $0x810, s30;
	s29 =	sadd.s32 $0x1020, s30;
	v10 =	vld.idx.msk [tilespmem:v0+s2+$0x30 ss:$0x1], $0xffff  }
0x5f: {  	s27 =	sadd.s32 $0x1830, s30;
	s26 =	sadd.s32 $0x2040, s30;
	s25 =	sadd.s32 $0x2850, s30;
	v7 =	vld.idx.msk [tilespmem:v0+s2+$0x40 ss:$0x1], $0xffff  }
0x60: {  	_ =	sdelay $0x3  }
0x61: {  	s0 =	sand.u32 $0x3F80, s0;
	s3 =	sadd.s32 s8, s30;
	v1 =	vld.idx.msk [tilespmem:v0+s2+$0x50 ss:$0x1], $0xffff;
	p1 =	sne.s32 s20, $0x2  }
.Ltmp5:
0x62: {  	v2 =	vld.idx.msk [tilespmem:v0+s0+$0x0 ss:$0x1], $0xffff;
	[tilespmem:s3+$0x0 ss:$0x81] =	vst.msk $0xffff, v11;
	s3 =	sadd.s32 s8, s28;
	(pc) =	sbr.rel @!p1 .LBB1_7-.Ltmp5, $4  }
0x63: {  	s5 =	sadd.s32 s8, s29;
	v3 =	vld.idx.msk [tilespmem:v0+s0+$0x10 ss:$0x1], $0xffff;
	[tilespmem:s3+$0x0 ss:$0x81] =	vst.msk $0xffff, v8  }
0x64: {  	v4 =	vld.idx.msk [tilespmem:v0+s0+$0x20 ss:$0x1], $0xffff;
	[tilespmem:s5+$0x0 ss:$0x81] =	vst.msk $0xffff, v9;
	s5 =	sadd.s32 s8, s27  }
0x65: {  	s2 =	simm.s32 $0x2;
	s31 =	sand.u32 $0x7F, s1;
	v5 =	vld.idx.msk [tilespmem:v0+s0+$0x30 ss:$0x1], $0xffff;
	[tilespmem:s5+$0x0 ss:$0x81] =	vst.msk $0xffff, v10;
	s5 =	sadd.s32 s8, s26  }
0x66: {  	s1 =	simm.s32 $0x100;
	p0 =	por $0x1, $0x1;
	v6 =	vld.idx.msk [tilespmem:v0+s0+$0x40 ss:$0x1], $0xffff;
	s3 =	sadd.s32 s8, s25;
	[tilespmem:s5+$0x0 ss:$0x81] =	vst.msk $0xffff, v7  }
.LBB1_8:
0x67: {  	s5 =	smov.u32 s2;
	s2 =	sadd.s32 $0x1, s2  }
0x68: {  	s8 =	sadd.s32 s31, s30;
	[tilespmem:s3+$0x0 ss:$0x81] =	vst.msk $0xffff, v1;
	v1 =	vld.idx.msk [tilespmem:v0+s0+$0x50 ss:$0x1], $0xffff;
	s0 =	sand.u32 $0x3F80, s1;
	p1 =	sne.s32 s20, s2  }
.Ltmp6:
0x69: {  	s3 =	sadd.s32 s31, s28;
	[tilespmem:s8+$0x0 ss:$0x81] =	vst.msk $0xffff, v2;
	v2 =	vld.idx.msk [tilespmem:v0+s0+$0x0 ss:$0x1], $0xffff;
	(pc) =	sbr.rel @p1 .LBB1_8-.Ltmp6, $4  }
0x6a: {  	[tilespmem:s3+$0x0 ss:$0x81] =	vst.msk $0xffff, v3;
	v3 =	vld.idx.msk [tilespmem:v0+s0+$0x10 ss:$0x1], $0xffff;
	s3 =	sadd.s32 s31, s29  }
0x6b: {  	[tilespmem:s3+$0x0 ss:$0x81] =	vst.msk $0xffff, v4;
	v4 =	vld.idx.msk [tilespmem:v0+s0+$0x20 ss:$0x1], $0xffff;
	s3 =	sadd.s32 s31, s27  }
0x6c: {  	[tilespmem:s3+$0x0 ss:$0x81] =	vst.msk $0xffff, v5;
	v5 =	vld.idx.msk [tilespmem:v0+s0+$0x30 ss:$0x1], $0xffff;
	s3 =	sadd.s32 s31, s26  }
0x6d: {  	s1 =	sadd.s32 $0x80, s1;
	[tilespmem:s3+$0x0 ss:$0x81] =	vst.msk $0xffff, v6;
	v6 =	vld.idx.msk [tilespmem:v0+s0+$0x40 ss:$0x1], $0xffff;
	s3 =	sadd.s32 s31, s25;
	s31 =	sand.u32 $0x7F, s5  }
0x6e: {  	_ =	sdelay $0x3  }
0x6f: {  	s8 =	smov.u32 s31;
	s2 =	smov.u32 s0;
	v11 =	vmovc v2;
	v8 =	vmovc v3;
	v9 =	vmov v4;
	v10 =	vmov v5;
	v7 =	vmov v6  }
.LBB1_10:
0x70: {  	_ =	sdelay $0x2  }
0x71: {  	s0 =	sadd.s32 s8, s30;
	[tilespmem:s3+$0x0 ss:$0x81] =	vst.msk @p0 $0xffff, v1;
	s24 =	sadd.s32 $0x1, s24  }
0x72: {  	v0 =	vld.idx.msk [tilespmem:v0+s2+$0x50 ss:$0x1], $0xffff;
	s5 =	sadd.s32 s8, s28;
	[tilespmem:s0+$0x0 ss:$0x81] =	vst.msk $0xffff, v11;
	p0 =	sne.s32 s24, s19  }
.Ltmp7:
0x73: {  	s28 =	sadd.s32 s8, s29;
	[tilespmem:s5+$0x0 ss:$0x81] =	vst.msk $0xffff, v8;
	(pc) =	sbr.rel @p0 .LBB1_4-.Ltmp7, $4  }
.Ltmp8:
0x74: {  	s29 =	sadd.s32 s8, s27;
	[tilespmem:s28+$0x0 ss:$0x81] =	vst.msk $0xffff, v9;
	(pc) =	sbr.rel @!p0 .LBB1_11-.Ltmp8, $4  }
0x75: {  	s30 =	sadd.s32 s8, s26;
	[tilespmem:s29+$0x0 ss:$0x81] =	vst.msk $0xffff, v10  }
0x76: {  	s31 =	sadd.s32 s8, s25;
	[tilespmem:s30+$0x0 ss:$0x81] =	vst.msk $0xffff, v7  }
0x77: {  	[tilespmem:s31+$0x0 ss:$0x81] =	vst.msk $0xffff, v0  }
0x78: {  	_ = 	snop  }
.LBB1_5:
.Ltmp9:
0x79: {  	(pc) =	sbr.rel .LBB1_10-.Ltmp9, $2  }
0x7a: {  	_ =	sdelay $0x2  }
0x7b: {  	_ = 	snop  }
.LBB1_7:
.Ltmp10:
0x7c: {  	_ = 	snop;
	(pc) =	sbr.rel .LBB1_10-.Ltmp10, $2  }
0x7d: {  	_ =	sdelay $0x2  }
0x7e: {  	s8 =	smov.u32 s31;
	s2 =	smov.u32 s0;
	v11 =	vmovc v2;
	v8 =	vmovc v3;
	v9 =	vmov v4;
	v10 =	vmov v5;
	v7 =	vmov v6  }
.LBB1_13:
0x7f: {  	_ =	sfence.sel $0x180000  }
0x80: {  	s0 =	simm.s32 $0x1;
	[bflag:$0x0] =	sbarrier.arrive $0xFFFF  }
0x81: {  	s30 =	simm.s32 $0x2;
	[sflag:s0] =	ssyncpa.u1 $0x1  }
0x82: {  	[sflag:s30] =	ssyncpa.u1 $0x1  }
0x83: {  	_ =	strace $0x90000047  }
0x84: {  	s31 =	stileid.u32;
	[bflag:$0x2] =	sbarrier.arrive $0xFFFF  }
0x85: {  	p0 =	sne.s32 s31, $0x0;
	s0 =	rddreg [dreg:$0x2]  }
0x86: {  	s0 =	sadd.s32 @!p0 $0x100000, s0  }
0x87: {  	[sflag:s0] =	ssyncadd.tile.s32 @!p0 $0x1;
	_ =	shalt  }
.Lfunc_end1:
_tile_overlayer_lowered:
.L_overlay_start_2:
0x88: {  	(tag) =	ssettag $0x2  }
0x89: {  	s0 =	rddreg [dreg:$0x0];
	s2 =	stileid.u32  }
0x8a: {  	s1 =	rddreg [dreg:$0x1];
	p0 =	sne.s32 s2, $0x0  }
0x8b: {  	s3 =	rddreg [dreg:$0x2];
	[bflag:$0x3] =	sbarrier.arrive $0xFFFF;
	s2 =	simm.s32 @!p0 $0x1C01  }
0x8c: {  	[timem:s3], [sflag:s2] =	dma.local @!p0 [hbm:s0], s1  }
0x8d: {  	s0 =	simm.s32 @!p0 $0x1  }
0x8e: {  	_ =	swait.ge @!p0 [sflag:s0], s1  }
0x8f: {  	s1 =	ssub.s32 @!p0 $0x0, s1;
	[sflag:s0] =	ssyncset.done @!p0 $0x0  }
0x90: {  	[sflag:s0] =	ssyncadd.s32 @!p0 s1  }
0x91: {  	[bflag:$0x3] =	sbarrier.arrive $0xFFFF  }
0x92: {  	_ =	shalt  }

</sc_bundles>
